<compile_context>
chip_gen: v7x
topology: tpu7x:2x2x1
jax: 0.10.2.dev20260603
libtpu: 0.0.44.dev20260713+nightly
codegen_flags: <defaults>
</compile_context>

<pallas_src>
import functools

import jax
import jax.numpy as jnp
from jax import lax
from jax.experimental import pallas as pl
from jax.experimental.pallas import tpu as pltpu
from jax.experimental.pallas import tpu_sc as plsc

_B, _N = 32, 32768
_D = 32
_MASK_ID = 0

_NC, _NS = 2, 16
_NW = _NC * _NS

_CHUNK = 2048
_NSTEP = _N // _CHUNK


def _mask_body(ks_ref, w_ref, batch_ref, mask_ref, tok_ref):
    wv = w_ref[...]
    ks = ks_ref[...]
    batch = batch_ref[...]

    u = lax.bitcast_convert_type(wv, jnp.int32)
    s = jnp.where(u < 0, u ^ jnp.int32(0x7FFFFFFF), u)
    msb = jnp.int32(-2147483648)

    def vbody(i, res):
        b = 31 - i
        cand = res | (jnp.int32(1) << b)
        cand_s = cand ^ msb
        cnt = jnp.sum((s >= cand_s).astype(jnp.int32), axis=1, keepdims=True)
        return jnp.where(cnt >= ks, cand, res)

    v_u = lax.fori_loop(0, 32, vbody, jnp.zeros((_B, 1), jnp.int32))
    v_s = v_u ^ msb

    gt = s > v_s
    c = jnp.sum(gt.astype(jnp.int32), axis=1, keepdims=True)
    eq = s == v_s
    need = ks - c

    iota = lax.broadcasted_iota(jnp.int32, (_B, _N), 1)

    def xbody(i, res):
        b = 14 - i
        cand = res | (jnp.int32(1) << b)
        cnt = jnp.sum((eq & (iota <= cand)).astype(jnp.int32), axis=1,
                      keepdims=True)
        return jnp.where(cnt <= need, cand, res)

    x = lax.fori_loop(0, 15, xbody, jnp.zeros((_B, 1), jnp.int32))

    mask = gt | (eq & (iota <= x))
    mask_ref[...] = mask.astype(jnp.int32)
    tok_ref[...] = jnp.where(mask, jnp.int32(_MASK_ID), batch)


def _topk_mask(ks, weights, batch):
    return pl.pallas_call(
        _mask_body,
        out_shape=[
            jax.ShapeDtypeStruct((_B, _N), jnp.int32),
            jax.ShapeDtypeStruct((_B, _N), jnp.int32),
        ],
    )(ks, weights, batch)


def _gather_body(tok_hbm, table_hbm, out_hbm, idx_v, rows_v, sem):
    wid = lax.axis_index("s") * _NC + lax.axis_index("c")
    base = wid * _N

    def step(i, carry):
        off = pl.multiple_of(base + i * _CHUNK, _CHUNK)
        pltpu.sync_copy(tok_hbm.at[pl.ds(off, _CHUNK)], idx_v)
        pltpu.async_copy(table_hbm.at[idx_v], rows_v, sem).wait()
        pltpu.sync_copy(rows_v, out_hbm.at[pl.ds(off, _CHUNK)])
        return carry

    lax.fori_loop(0, _NSTEP, step, 0)


@functools.cache
def _sc_gather_fn():
    return pl.kernel(
        _gather_body,
        out_type=jax.ShapeDtypeStruct((_B * _N, _D), jnp.float32),
        mesh=plsc.VectorSubcoreMesh(core_axis_name="c", subcore_axis_name="s",
                                    num_cores=_NC, num_subcores=_NS),
        scratch_types=[
            pltpu.VMEM((_CHUNK,), jnp.int32),
            pltpu.VMEM((_CHUNK, _D), jnp.float32),
            pltpu.SemaphoreType.DMA,
        ],
        compiler_params=pltpu.CompilerParams(use_tc_tiling_on_sc=False),
    )


def _cosine_schedule(t):
    return 1.0 - jnp.cos(jnp.pi * t / 2.0)


def _cosine_weight(t, eps=1e-3):
    t_adj = t * (1.0 - 2.0 * eps) + eps
    return 0.5 * jnp.pi * jnp.sin(jnp.pi * t_adj / 2.0)


def _gumbel_noise(key, shape, eps=1e-7):
    U = jax.random.uniform(key, shape, dtype=jnp.float32)
    return -jnp.log(-jnp.log(U + eps) + eps)


def kernel(batch, emb_table):
    key = jax.random.key(42)
    kt, kg, kd = jax.random.split(key, 3)
    t = jax.random.uniform(kt, (_B,), dtype=jnp.float32)
    r = _cosine_schedule(t)
    w = _cosine_weight(t)
    G = _gumbel_noise(kg, (_B, _N))
    alpha = jnp.full((_N,), 0.5, dtype=jnp.float32)
    dsamp = jax.random.dirichlet(kd, alpha, shape=(_B,))
    weights = G + jnp.log(dsamp)
    ks = (_N * r).astype(jnp.int32)[:, None]

    mask_i32, masked_tokens = _topk_mask(ks, weights, batch)

    tok_flat = masked_tokens.reshape(_B * _N)
    out_flat = jnp.take(emb_table, tok_flat, axis=0)
    out = out_flat.reshape(_B, _N, _D)
    return (out, w, mask_i32.astype(jnp.bool_))

# --- scband reference (transcript-rebuilt; emitter-appended) ---
"""Pipeline reference for scband-masked-diffusion-82076825027303 (READ-ONLY COPY).

The authoritative reference and input builder live on the scoring server;
editing this copy changes nothing except your own understanding.
"""

import jax, jax.numpy as jnp
import numpy as np

B, N = 32, 32768
VOCAB, D = 100000, 32
MASK_ID = 0


def setup_inputs(seed: int = 0) -> dict:
    key = jax.random.key(seed)
    k1, k2 = jax.random.split(key)
    batch = jax.random.randint(k1, (B, N), 0, VOCAB, dtype=jnp.int32)
    emb_table = jax.random.normal(k2, (VOCAB, D), dtype=jnp.float32)
    return {"batch": batch, "emb_table": emb_table}


def cosine_schedule(t):
    return 1.0 - jnp.cos(jnp.pi * t / 2.0)


def cosine_weight(t, eps=1e-3):
    t_adj = t * (1.0 - 2.0 * eps) + eps
    return 0.5 * jnp.pi * jnp.sin(jnp.pi * t_adj / 2.0)


def gumbel_noise(key, shape, eps=1e-7):
    U = jax.random.uniform(key, shape, dtype=jnp.float32)
    return -jnp.log(-jnp.log(U + eps) + eps)


def binary_topk(weights, ks):
    Bn, Nn = weights.shape
    idx = jnp.argsort(-weights, axis=-1)  # descending argsort
    rank = jnp.broadcast_to(jnp.arange(Nn, dtype=jnp.int32)[None, :], (Bn, Nn))
    src = ks > rank  # bool [B, N]
    mask = jnp.zeros((Bn, Nn), dtype=bool).at[jnp.arange(Bn)[:, None], idx].set(src)
    return mask


def reference(batch, emb_table):
    Bn, Nn = batch.shape
    key = jax.random.key(42)
    kt, kg, kd = jax.random.split(key, 3)
    # t ~ U(0,1) per batch element
    t = jax.random.uniform(kt, (Bn,), dtype=jnp.float32)
    r = cosine_schedule(t)
    w = cosine_weight(t)
    # Gumbel noise G[B, N]
    G = gumbel_noise(kg, (Bn, Nn))
    # Dirichlet(alpha=0.5) over last dim, then log (T == N)
    alpha = jnp.full((Nn,), 0.5, dtype=jnp.float32)
    Dsamp = jax.random.dirichlet(kd, alpha, shape=(Bn,))
    Dlog = jnp.log(Dsamp)
    # ks from rates: num_tokens * r
    ks = (Nn * r).astype(jnp.int32)[:, None]
    mask = binary_topk(G + Dlog, ks)
    # MaskedPredictor: replace masked tokens with mask id, embed (memory-bound gather)
    masked_tokens = jnp.where(mask, MASK_ID, batch)
    out = jnp.take(emb_table, masked_tokens, axis=0)  # [B, N, D]
    return (out, w, mask)

if __name__ == "__main__":
    import jax
    _d = setup_inputs()
    print(jax.jit(kernel)(*tuple(_d.values())))

</pallas_src>

<mosaic_0001>
module attributes {stable_mosaic.version = 14 : i64} {
  func.func @_mask_body(%arg0: memref<32x1xi32, #tpu.memory_space<vmem>>, %arg1: memref<32x32768xf32, #tpu.memory_space<vmem>>, %arg2: memref<32x32768xi32, #tpu.memory_space<vmem>>, %arg3: memref<32x32768xi32, #tpu.memory_space<vmem>>, %arg4: memref<32x32768xi32, #tpu.memory_space<vmem>>) attributes {dimension_semantics = [], scalar_prefetch = 0 : i64, scratch_operands = 0 : i64, tpu.core_type = #tpu.core_type<tc>} {
    %get3A = arith.constant 0 : index
    %get3A_0 = arith.constant 0 : index
    %get3A_1 = vector.load %arg1[%get3A, %get3A_0] : memref<32x32768xf32, #tpu.memory_space<vmem>>, vector<32x32768xf32>
    %get3A_2 = arith.constant 0 : index
    %get3A_3 = arith.constant 0 : index
    %get3A_4 = vector.load %arg0[%get3A_2, %get3A_3] : memref<32x1xi32, #tpu.memory_space<vmem>>, vector<32x1xi32>
    %get3A_5 = arith.constant 0 : index
    %get3A_6 = arith.constant 0 : index
    %get3A_7 = vector.load %arg2[%get3A_5, %get3A_6] : memref<32x32768xi32, #tpu.memory_space<vmem>>, vector<32x32768xi32>
    %bitcast_convert_type3A = tpu.bitcast %get3A_1 : vector<32x32768xf32> -> vector<32x32768xi32>
    %lt3A = arith.constant 0 : i32
    %lt3A_8 = vector.broadcast %lt3A : i32 to vector<32x32768xi32>
    %lt3A_9 = arith.cmpi slt, %bitcast_convert_type3A, %lt3A_8 : vector<32x32768xi32>
    %xor3A = arith.constant 2147483647 : i32
    %xor3A_10 = vector.broadcast %xor3A : i32 to vector<32x32768xi32>
    %xor3A_11 = arith.xori %bitcast_convert_type3A, %xor3A_10 : vector<32x32768xi32>
    %select_n3A = arith.select %lt3A_9, %xor3A_11, %bitcast_convert_type3A : vector<32x32768xi1>, vector<32x32768xi32>
    %broadcast_in_dim3A = arith.constant 0 : i32
    %broadcast_in_dim3A_12 = vector.broadcast %broadcast_in_dim3A : i32 to vector<32x1xi32>
    %scan3A = arith.constant -2147483648 : i32
    %scan3A_13 = arith.constant 0 : i32
    %scan3A_14 = arith.constant 32 : i32
    %scan3A_15 = arith.addi %scan3A_13, %scan3A_14 : i32
    %scan3A_16 = arith.constant 1 : i32
    %scan3A_17 = scf.for %scan3A_43 = %scan3A_13 to %scan3A_15 step %scan3A_16 iter_args(%scan3A_44 = %broadcast_in_dim3A_12) -> (vector<32x1xi32>)  : i32 {
      %sub3A_45 = arith.constant 31 : i32
      %sub3A_46 = arith.subi %sub3A_45, %scan3A_43 : i32
      %shift_left3A = arith.constant 1 : i32
      %shift_left3A_47 = arith.shli %shift_left3A, %sub3A_46 : i32
      %or3A_48 = vector.broadcast %shift_left3A_47 : i32 to vector<32x1xi32>
      %or3A_49 = arith.ori %scan3A_44, %or3A_48 : vector<32x1xi32>
      %xor3A_50 = vector.broadcast %scan3A : i32 to vector<32x1xi32>
      %xor3A_51 = arith.xori %or3A_49, %xor3A_50 : vector<32x1xi32>
      %ge3A = vector.broadcast %xor3A_51 : vector<32x1xi32> to vector<32x32768xi32>
      %ge3A_52 = arith.cmpi sge, %select_n3A, %ge3A : vector<32x32768xi32>
      %convert_element_type3A_53 = arith.extui %ge3A_52 : vector<32x32768xi1> to vector<32x32768xi32>
      %reduce_sum3A_54 = arith.constant dense<0> : vector<32xi32>
      %reduce_sum3A_55 = vector.multi_reduction <add>, %convert_element_type3A_53, %reduce_sum3A_54 [1] : vector<32x32768xi32> to vector<32xi32>
      %broadcast_in_dim3A_56 = vector.shape_cast %reduce_sum3A_55 : vector<32xi32> to vector<32x1xi32>
      %ge3A_57 = arith.cmpi sge, %broadcast_in_dim3A_56, %get3A_4 : vector<32x1xi32>
      %select_n3A_58 = arith.select %ge3A_57, %or3A_49, %scan3A_44 : vector<32x1xi1>, vector<32x1xi32>
      scf.yield %select_n3A_58 : vector<32x1xi32>
    }
    %scan3A_18 = arith.constant 32 : i32
    %xor3A_19 = arith.constant -2147483648 : i32
    %xor3A_20 = vector.broadcast %xor3A_19 : i32 to vector<32x1xi32>
    %xor3A_21 = arith.xori %scan3A_17, %xor3A_20 : vector<32x1xi32>
    %gt3A = vector.broadcast %xor3A_21 : vector<32x1xi32> to vector<32x32768xi32>
    %gt3A_22 = arith.cmpi sgt, %select_n3A, %gt3A : vector<32x32768xi32>
    %convert_element_type3A = arith.extui %gt3A_22 : vector<32x32768xi1> to vector<32x32768xi32>
    %reduce_sum3A = arith.constant dense<0> : vector<32xi32>
    %reduce_sum3A_23 = vector.multi_reduction <add>, %convert_element_type3A, %reduce_sum3A [1] : vector<32x32768xi32> to vector<32xi32>
    %broadcast_in_dim3A_24 = vector.shape_cast %reduce_sum3A_23 : vector<32xi32> to vector<32x1xi32>
    %eq3A = vector.broadcast %xor3A_21 : vector<32x1xi32> to vector<32x32768xi32>
    %eq3A_25 = arith.cmpi eq, %select_n3A, %eq3A : vector<32x32768xi32>
    %sub3A = arith.subi %get3A_4, %broadcast_in_dim3A_24 : vector<32x1xi32>
    %iota3A = tpu.iota {dimensions = array<i32: 1>} : vector<32x32768xi32>
    %broadcast_in_dim3A_26 = arith.constant 0 : i32
    %broadcast_in_dim3A_27 = vector.broadcast %broadcast_in_dim3A_26 : i32 to vector<32x1xi32>
    %scan3A_28 = arith.constant 0 : i32
    %scan3A_29 = arith.constant 15 : i32
    %scan3A_30 = arith.addi %scan3A_28, %scan3A_29 : i32
    %scan3A_31 = arith.constant 1 : i32
    %scan3A_32 = scf.for %scan3A_43 = %scan3A_28 to %scan3A_30 step %scan3A_31 iter_args(%scan3A_44 = %broadcast_in_dim3A_27) -> (vector<32x1xi32>)  : i32 {
      %sub3A_45 = arith.constant 14 : i32
      %sub3A_46 = arith.subi %sub3A_45, %scan3A_43 : i32
      %shift_left3A = arith.constant 1 : i32
      %shift_left3A_47 = arith.shli %shift_left3A, %sub3A_46 : i32
      %or3A_48 = vector.broadcast %shift_left3A_47 : i32 to vector<32x1xi32>
      %or3A_49 = arith.ori %scan3A_44, %or3A_48 : vector<32x1xi32>
      %le3A_50 = vector.broadcast %or3A_49 : vector<32x1xi32> to vector<32x32768xi32>
      %le3A_51 = arith.cmpi sle, %iota3A, %le3A_50 : vector<32x32768xi32>
      %and3A_52 = arith.andi %eq3A_25, %le3A_51 : vector<32x32768xi1>
      %convert_element_type3A_53 = arith.extui %and3A_52 : vector<32x32768xi1> to vector<32x32768xi32>
      %reduce_sum3A_54 = arith.constant dense<0> : vector<32xi32>
      %reduce_sum3A_55 = vector.multi_reduction <add>, %convert_element_type3A_53, %reduce_sum3A_54 [1] : vector<32x32768xi32> to vector<32xi32>
      %broadcast_in_dim3A_56 = vector.shape_cast %reduce_sum3A_55 : vector<32xi32> to vector<32x1xi32>
      %le3A_57 = arith.cmpi sle, %broadcast_in_dim3A_56, %sub3A : vector<32x1xi32>
      %select_n3A_58 = arith.select %le3A_57, %or3A_49, %scan3A_44 : vector<32x1xi1>, vector<32x1xi32>
      scf.yield %select_n3A_58 : vector<32x1xi32>
    }
    %scan3A_33 = arith.constant 15 : i32
    %le3A = vector.broadcast %scan3A_32 : vector<32x1xi32> to vector<32x32768xi32>
    %le3A_34 = arith.cmpi sle, %iota3A, %le3A : vector<32x32768xi32>
    %and3A = arith.andi %eq3A_25, %le3A_34 : vector<32x32768xi1>
    %or3A = arith.ori %gt3A_22, %and3A : vector<32x32768xi1>
    %convert_element_type3A_35 = arith.extui %or3A : vector<32x32768xi1> to vector<32x32768xi32>
    %swap3A = arith.constant 0 : index
    %swap3A_36 = arith.constant 0 : index
    %swap3A_37 = vector.load %arg3[%swap3A, %swap3A_36] : memref<32x32768xi32, #tpu.memory_space<vmem>>, vector<32x32768xi32>
    tpu.vector_store %arg3[%swap3A, %swap3A_36], %convert_element_type3A_35 {strides = array<i32>} : memref<32x32768xi32, #tpu.memory_space<vmem>>, vector<32x32768xi32>,
    %jit3A = arith.constant 0 : i32
    %broadcast_in_dim3A_38 = vector.broadcast %jit3A : i32 to vector<32x32768xi32>
    %select_n3A_39 = arith.select %or3A, %broadcast_in_dim3A_38, %get3A_7 : vector<32x32768xi1>, vector<32x32768xi32>
    %swap3A_40 = arith.constant 0 : index
    %swap3A_41 = arith.constant 0 : index
    %swap3A_42 = vector.load %arg4[%swap3A_40, %swap3A_41] : memref<32x32768xi32, #tpu.memory_space<vmem>>, vector<32x32768xi32>
    tpu.vector_store %arg4[%swap3A_40, %swap3A_41], %select_n3A_39 {strides = array<i32>} : memref<32x32768xi32, #tpu.memory_space<vmem>>, vector<32x32768xi32>,
    return
  }
}

</mosaic_0001>

<sc_bundles>
// kernel: sparse-core-data-format-call.cloned.1.call-start
scs
called_computation_lowered:
.L_overlay_start_0:
0x0: {  	s2 =	sld [smem:$0x3FD9]  }
0x1: {  	s3 =	sld [smem:$0x3FFE];
	_ =	sdelay $0x1  }
0x2: {  	s1 =	srdreg.scid  }
0x3: {  	s0 =	sand.u32 $0x1, s1  }
0x4: {  	s15 =	sshll.u32 s0, $0xA;
	s2 =	sadd.s32 s3, s2  }
0x5: {  	s2 =	sadd.s32 s2, s15  }
0x6: {  	[smem:$0x3FC6] =	sst s2  }
0x7: {  	_ = 	snop  }
0x8: {  	s2 =	sld [smem:$0x3FD0];
	_ =	sdelay $0x2  }
0x9: {  	s16 =	simm.s32 $0xA;
	s4 =	simm.s32 $0x10  }
0xa: {  	[smem:s4], [sflag:s16] =	dma.local [hbm:s2], $0x1  }
0xb: {  	_ =	swait.eq [sflag:s16], $0x1  }
0xc: {  	[sflag:s16] =	ssyncset.done $0x0  }
0xd: {  	[sflag:s16] =	ssyncadd.s32 $0xFFFFFFFF  }
0xe: {  	s17 =	sld [smem:$0x10];
	(tm) =	ssettm $0x1  }
0xf: {  	s18 =	sld [smem:$0x3FFB];
	_ =	sdelay $0x3  }
0x10: {  	_ =	strace s18  }
0x11: {  	s3 =	sld [smem:$0x3FFC];
	_ =	sdelay $0x3  }
0x12: {  	_ =	strace s3  }
0x13: {  	s3 =	sld [smem:$0x3FFD];
	_ =	sdelay $0x3  }
0x14: {  	_ =	strace s3  }
0x15: {  	_ =	strace $0x8FFFFFFF  }
0x16: {  	s19 =	sld [smem:$0x3FDB];
	_ =	sdelay $0x1  }
0x17: {  	s20 =	simm.s32 $_scs_section_size  }
0x18: {  	s5 =	simm.s32 $_size__tile_overlayer_lowered;
	s6 =	simm.s32 $_tile_overlayer_lowered  }
0x19: {  	s23 =	simm.s32 $0x1BFF;
	s22 =	sshll.u32 s6, $0x1;
	s3 =	sadd.s32 s20, s19  }
0x1a: {  	s7 =	simm.s32 $0x0;
	s21 =	sshll.u32 s5, $0x1;
	s5 =	sadd.s32 s22, s3  }
0x1b: {  	[timem:s7], [sflag:s23] =	dma.local [hbm:s5], s21  }
0x1c: {  	_ =	swait.ge [sflag:s23], s21  }
0x1d: {  	s4 =	ssub.s32 $0x0, s21;
	[sflag:s23] =	ssyncset.done $0x0  }
0x1e: {  	[sflag:s23] =	ssyncadd.s32 s4;
	_ =	sdelay $0x1  }
0x1f: {  	s24 =	simm.s32 $0x1B8B  }
0x20: {  	_ =	swait.ge [sflag:s24], $0x1  }
0x21: {  	[sflag:s24] =	ssyncset.done $0x0  }
0x22: {  	s26 =	simm.s32 $0x1B8E;
	s25 =	sld [smem:$0x3FFE];
	[sflag:s24] =	ssyncadd.s32 $0xFFFFFFFF  }
0x23: {  	s27 =	simm.s32 $execute0_lowered;
	[smem:$0x3FD2] =	sst s26  }
0x24: {  	s5 =	sshll.u32 s27, $0x1;
	_ =	strace $0x80000046;
	[dreg:$0x1] =	wrdreg $0xFFFFFFFF  }
0x25: {  	s28 =	simm.s32 $_size_execute0_lowered;
	s3 =	sadd.s32 s3, s5;
	[dreg:$0x0] =	wrdreg $0x0  }
0x26: {  	s5 =	sshll.u32 s28, $0x1;
	[dreg:$0x2] =	wrdreg s3  }
0x27: {  	[dreg:$0x3] =	wrdreg s5  }
0x28: {  	[dreg:$0x4] =	wrdreg $0xC0  }
0x29: {  	_ =	task [dreg:s7], $0x5FFFF  }
0x2a: {  	[dreg:$0x1] =	wrdreg $0xFFFFFFFF  }
0x2b: {  	[dreg:$0x0] =	wrdreg $0x60  }
0x2c: {  	[dreg:$0x2] =	wrdreg s25  }
0x2d: {  	[dreg:$0x3] =	wrdreg s17  }
0x2e: {  	[dreg:$0x4] =	wrdreg $0x9  }
0x2f: {  	_ =	task.clear_ibuf [dreg:s7], $0x5FFFF;
	_ =	strace $0x90000046  }
0x30: {  	s29 =	simm.s32 $0x9;
	_ =	strace $0x80000048  }
0x31: {  	_ =	swait.ge [sflag:s29], $0x1  }
0x32: {  	[sflag:s29] =	ssyncadd.s32 $0xFFFFFFFF  }
0x33: {  	_ =	strace $0x90000048  }
0x34: {  	_ =	sfence  }
0x35: {  	s30 =	sld [smem:$0x0];
	_ =	sdelay $0x2  }
0x36: {  	s31 =	sshll.u32 s1, $0xD;
	s1 =	sshrl.u32 s1, $0x2  }
0x37: {  	s3 =	sand.u32 $0x4000, s31;
	s1 =	sadd.s32 s1, s30  }
0x38: {  	s0 =	sor.u32 s3, s0;
	s1 =	sshll.u32 s1, $0x11  }
0x39: {  	s0 =	sor.u32 s1, s0  }
0x3a: {  	s0 =	sadd.s32 $0x8F2B, s0  }
0x3b: {  	[sflag:s0] =	ssyncadd.remote.s32 $0x1  }
0x3c: {  	_ =	sfence.sel $0xFFFF  }
0x3d: {  	[dreg:$0x0] =	wrdreg $0xFFFFFFFF;
	(pc) =	sbr.abs _section_cstart, $3  }
0x3e: {  	[dreg:$0x1] =	wrdreg $0xFFFFFFFF  }
0x3f: {  	_ =	task.clear_ibuf [dreg:s7], $0x2FFFF;
	_ =	strace $0x9FFFFFFF  }
0x40: {  	(tm) =	ssettm $0x7FFFFFFF  }
0x41: {  	_ =	shalt  }
tec
execute0_lowered:
.L_overlay_start_1:
0x0: {  	(tag) =	ssettag $0x1  }
0x1: {  	s10 =	rddreg [dreg:$0x0]  }
0x2: {  	s2 =	rddreg [dreg:$0x1]  }
0x3: {  	s0 =	rddreg [dreg:$0x2]  }
0x4: {  	s1 =	stileid.u32;
	s3 =	srdreg.scid  }
0x5: {  	_ =	strace $0x80000047;
	s31 =	simm.s32 $0x2;
	s16 =	simm.s32 $0x0  }
0x6: {  	s12 =	simm.s32 $0x40000;
	s17 =	simm.s32 $0x0;
	s15 =	simm.s32 $0x0  }
0x7: {  	s4 =	sshll.u32 s1, $0x2;
	s5 =	sshll.u32 s1, $0x4;
	s6 =	sshll.u32 s3, $0x8  }
0x8: {  	s3 =	sand.u32 $0x1C, s4;
	s5 =	sor.u32 s5, s6;
	s4 =	sadd.s32 $0x45E00, s10  }
0x9: {  	s6 =	simm.s32 $0x1;
	s5 =	sand.u32 $0x180, s5;
	s7 =	ssub.s32 $0x20, s3  }
0xa: {  	s8 =	sand.u32 $0x1C, s7;
	s9 =	ssub.s32 $0x8000, s5;
	s7 =	sshrl.u32 s7, $0x5  }
0xb: {  	p0 =	sne.s32 s8, $0x0;
	s8 =	simm.s32 $0x1;
	s11 =	sand.u32 $0x180, s9  }
0xc: {  	s8 =	simm.s32 @!p0 $0x0;
	p0 =	sne.s32 s11, $0x0;
	s11 =	simm.s32 $0x1  }
.Ltmp0:
0xd: {  	s9 =	sshrl.u32 s9, $0x9;
	s11 =	simm.s32 @!p0 $0x0;
	(pc) =	sbr.rel .LBB1_1-.Ltmp0, $4  }
0xe: {  	[sflag:s6] =	ssyncpa.u1 $0x0;
	s7 =	sadd.s32 s8, s7;
	s30 =	sadd.s32 s11, s9  }
0xf: {  	s14 =	smov.u32 s3;
	[sflag:s31] =	ssyncpa.u1 $0x0;
	s7 =	smul.u32 s7, s30  }
0x10: {  	s13 =	smov.u32 s5;
	s8 =	sadd.s32 $0xC5E00, s10;
	p0 =	por $0x0, $0x0  }
0x11: {  	s9 =	sadd.s32 $0x145E00, s10;
	s10 =	sadd.s32 $0x1C5E00, s10;
	s11 =	sadd.s32 $0x1, s7  }
.LBB1_7:
0x12: {  	s18 =	sadd.s32 $0x200, s13  }
0x13: {  	s16 =	sadd.s32 $0x20, s14;
	s20 =	smov.u32 s14;
	p2 =	sgt.s32 s18, $0x7FFF  }
0x14: {  	s20 =	smov.u32 @p2 s16  }
0x15: {  	s18 =	smov.u32 @p2 s5;
	p2 =	sgt.s32 s20, $0x1F  }
0x16: {  	s20 =	smov.u32 @p2 s3;
	p2 =	sne.s32 s15, s11  }
.Ltmp1:
0x17: {  	p1 =	slt.u32 s15, $0x2;
	(pc) =	sbr.rel @!p2 .LBB1_8-.Ltmp1, $4  }
0x18: {  	s19 =	simm.s32 @!p1 $0x2  }
0x19: {  	s17 =	smov.u32 s14;
	p0 =	por !p0, !p0;
	_ =	swait.ge @!p1 [sflag:s19], $0x4000  }
0x1a: {  	s16 =	smov.u32 s13;
	[sflag:s19] =	ssyncset.done @!p1 $0x0;
	s13 =	smov.u32 s18  }
0x1b: {  	s15 =	sadd.s32 $0x1, s15;
	[sflag:s19] =	ssyncadd.s32 @!p1 $0xFFFFC000;
	s14 =	smov.u32 s20  }
.LBB1_1:
0x1c: {  	p1 =	sge.u32 s15, s7  }
0x1d: {  	s18 =	sxor.u32 @!p1 $0xFFFFFFFF, s15  }
0x1e: {  	s19 =	sshll.u32 @!p1 s14, $0x13;
	s20 =	sshll.u32 @!p1 s13, $0x4;
	s22 =	simm.s32 @!p1 $0x20  }
0x1f: {  	s18 =	sshll.u32 @!p1 s18, $0xE;
	s20 =	sand.u32 @!p1 $0x7FFF0, s20;
	s21 =	sadd.s32 @!p1 s4, s19  }
0x20: {  	s23 =	simm.s32 @!p1 $0x80;
	s18 =	sand.u32 @!p1 $0x4000, s18;
	s21 =	sadd.s32 @!p1 s20, s21  }
0x21: {  	[tilespmem:s18], [sflag:$0x1] =	stream.strided.gather @!p1 [hbm4b:s21+s22], $0x1000, s23, s22, $0x38;
	[tilespmem:$0x10100] =	vst v63  }
0x22: {  	s21 =	sadd.s32 @!p1 s19, s8  }
0x23: {  	s24 =	sor.u32 @!p1 $0x1000, s18;
	s21 =	sadd.s32 @!p1 s20, s21  }
0x24: {  	[tilespmem:s24], [sflag:$0x1] =	stream.strided.gather @!p1 [hbm4b:s21+s22], $0x1000, s23, s22, $0x38;
	[tilespmem:$0x10100] =	vst v63  }
0x25: {  	s21 =	sadd.s32 @!p1 s19, s9  }
0x26: {  	s24 =	sor.u32 @!p1 $0x2000, s18;
	s19 =	sadd.s32 @!p1 s19, s10;
	s21 =	sadd.s32 @!p1 s20, s21  }
0x27: {  	[tilespmem:s24], [sflag:$0x1] =	stream.strided.gather @!p1 [hbm4b:s21+s22], $0x1000, s23, s22, $0x38;
	[tilespmem:$0x10100] =	vst v63  }
0x28: {  	s31 =	sadd.s32 $0xFFFFFFFF, s15;
	s18 =	sor.u32 @!p1 $0x3000, s18;
	s19 =	sadd.s32 @!p1 s20, s19  }
0x29: {  	[tilespmem:s18], [sflag:$0x1] =	stream.strided.gather @!p1 [hbm4b:s19+s22], $0x1000, s23, s22, $0x38;
	[tilespmem:$0x10100] =	vst v63  }
0x2a: {  	p1 =	sge.u32 s31, s7  }
.Ltmp2:
0x2b: {  	_ = 	snop;
	(pc) =	sbr.rel @p1 .LBB1_7-.Ltmp2, $1  }
0x2c: {  	_ =	sdelay $0x3  }
0x2d: {  	s18 =	simm.s32 $0x1;
	s20 =	sand.u32 $0x1, s15  }
0x2e: {  	_ =	swait.ge [sflag:s6], $0x4000;
	s18 =	simm.s32 @!p0 $0x0;
	s21 =	smul.u32 $0x10200, s20  }
0x2f: {  	[sflag:s6] =	ssyncset.done $0x0;
	s19 =	smul.u32 $0x10200, s18  }
0x30: {  	s18 =	sshll.u32 s18, $0xE;
	[sflag:s6] =	ssyncadd.s32 $0xFFFFC000  }
0x31: {  	s20 =	sor.u32 $0x10, s18;
	s31 =	sshrl.u32 s21, $0x2;
	s19 =	sshrl.u32 s19, $0x2  }
0x32: {  	s21 =	simm.s32 $0x0;
	s18 =	sor.u32 $0x8000, s31;
	s19 =	sor.u32 $0x8000, s19  }
.LBB1_3:
0x33: {  	v1 =	vld [tilespmem:s20+$0x0]  }
0x34: {  	v0 =	vld [tilespmem:s20+$0xFFFFFFF0];
	_ =	sdelay $0x2  }
0x35: {  	s24 =	sadd.s32 $0x0, s19  }
0x36: {  	s22 =	simm.s32 $0x4;
	s23 =	sadd.s32 $0x20, s20;
	[tilespmem:s24+$0x810 ss:$0x81] =	vst.msk $0xffff, v1  }
.LBB1_4:
0x37: {  	v1 =	vld [tilespmem:s23+$0x0];
	p1 =	sne.s32 s22, $0x1FC;
	[tilespmem:s24+$0x0 ss:$0x81] =	vst.msk $0xffff, v0;
	s24 =	smov.u32 s22;
	s22 =	sadd.s32 $0x4, s22  }
.Ltmp3:
0x38: {  	v0 =	vld [tilespmem:s23+$0xFFFFFFF0];
	(pc) =	sbr.rel @p1 .LBB1_4-.Ltmp3, $4  }
0x39: {  	_ = 	snop  }
0x3a: {  	s24 =	sshra.s32 s24, $0x2  }
0x3b: {  	s24 =	sadd.s32 s24, s19  }
0x3c: {  	s23 =	sadd.s32 $0x20, s23;
	[tilespmem:s24+$0x810 ss:$0x81] =	vst.msk $0xffff, v1  }
0x3d: {  	s21 =	sadd.s32 $0x1, s21  }
0x3e: {  	p1 =	sne.s32 s21, $0x4  }
.Ltmp4:
0x3f: {  	_ = 	snop;
	(pc) =	sbr.rel @p1 .LBB1_3-.Ltmp4, $2  }
0x40: {  	_ =	sdelay $0x2  }
0x41: {  	[tilespmem:s24+$0x0 ss:$0x81] =	vst.msk $0xffff, v0;
	s19 =	sadd.s32 $0x1020, s19;
	s20 =	sadd.s32 $0x1000, s20  }
0x42: {  	s19 =	sshll.u32 s16, $0x3;
	s20 =	sand.u32 $0x78, s16;
	s17 =	sshll.u32 s17, $0x11  }
.Ltmp5:
0x43: {  	s30 =	sand.u32 $0x1F000, s16;
	s19 =	sand.u32 $0x7C00, s19;
	(pc) =	sbr.rel .LBB1_7-.Ltmp5, $4  }
0x44: {  	s31 =	sand.u32 $0x7, s16;
	s17 =	sadd.s32 s2, s17;
	s19 =	sor.u32 s20, s19  }
0x45: {  	s16 =	sshll.u32 s31, $0x12;
	s17 =	sadd.s32 s30, s17;
	s19 =	sshrl.u32 s19, $0x3  }
0x46: {  	s16 =	sor.u32 $0x400, s16;
	s17 =	sadd.s32 s19, s17  }
0x47: {  	[hbm4b:s17+s16] =	stream.strided.scatter [tilespmem:s18], [sflag:$0x2], $0x4000, s12, s16, $0x20;
	[tilespmem:$0x10100] =	vst v63  }
.LBB1_8:
0x48: {  	_ =	sfence.sel $0x180000  }
0x49: {  	s2 =	simm.s32 $0x1;
	[bflag:$0x0] =	sbarrier.arrive $0xFFFF  }
0x4a: {  	s31 =	simm.s32 $0x2;
	[sflag:s2] =	ssyncpa.u1 $0x1  }
0x4b: {  	[sflag:s31] =	ssyncpa.u1 $0x1  }
0x4c: {  	p0 =	sne.s32 s1, $0x0;
	_ =	strace $0x90000047  }
0x4d: {  	s0 =	sadd.s32 @!p0 $0x100000, s0;
	[bflag:$0x2] =	sbarrier.arrive $0xFFFF  }
0x4e: {  	[sflag:s0] =	ssyncadd.tile.s32 @!p0 $0x1;
	_ =	shalt  }
.Lfunc_end1:
_tile_overlayer_lowered:
.L_overlay_start_2:
0x4f: {  	(tag) =	ssettag $0x2  }
0x50: {  	s0 =	rddreg [dreg:$0x0];
	s2 =	stileid.u32  }
0x51: {  	s1 =	rddreg [dreg:$0x1];
	p0 =	sne.s32 s2, $0x0  }
0x52: {  	s3 =	rddreg [dreg:$0x2];
	[bflag:$0x3] =	sbarrier.arrive $0xFFFF;
	s2 =	simm.s32 @!p0 $0x1C01  }
0x53: {  	[timem:s3], [sflag:s2] =	dma.local @!p0 [hbm:s0], s1  }
0x54: {  	s0 =	simm.s32 @!p0 $0x1  }
0x55: {  	_ =	swait.ge @!p0 [sflag:s0], s1  }
0x56: {  	s1 =	ssub.s32 @!p0 $0x0, s1;
	[sflag:s0] =	ssyncset.done @!p0 $0x0  }
0x57: {  	[sflag:s0] =	ssyncadd.s32 @!p0 s1  }
0x58: {  	[bflag:$0x3] =	sbarrier.arrive $0xFFFF  }
0x59: {  	_ =	shalt  }

</sc_bundles>
